<compile_context>
chip_gen: v7x
topology: tpu7x:2x2x1
jax: 0.10.2.dev20260603
libtpu: 0.0.44.dev20260713+nightly
codegen_flags: <defaults>
</compile_context>

<pallas_src>
import functools

import jax
import jax.numpy as jnp
from jax import lax
from jax.experimental import pallas as pl
from jax.experimental.pallas import tpu as pltpu
from jax.experimental.pallas import tpu_sc as plsc

_BIGF = float(2**28)
_QB = 512
_CHUNK = 1024
_UNROLL = 4


def _search_body(n, pos_ref, tx_ref, ty_ref, out_ref):
    nch = tx_ref.shape[0]
    qx = pos_ref[:, 0].reshape(_QB, 1, 1)
    qy = pos_ref[:, 1].reshape(_QB, 1, 1)
    lane = (
        lax.broadcasted_iota(jnp.int32, (1, 8, 128), 1) * 128
        + lax.broadcasted_iota(jnp.int32, (1, 8, 128), 2)
    ).astype(jnp.float32)

    def step(c, acc):
        for u in range(_UNROLL):
            cc = nch - 1 - (c * _UNROLL + u)
            hit = (tx_ref[cc][None] == qx) | (ty_ref[cc][None] == qy)
            idxf = lane + (cc * _CHUNK).astype(jnp.float32)
            acc = jnp.where(hit, idxf, acc)
        return acc

    acc0 = jnp.full((_QB, 8, 128), _BIGF, jnp.float32)
    acc = lax.fori_loop(0, nch // _UNROLL, step, acc0)
    mi = jnp.min(acc, axis=(1, 2)).astype(jnp.int32)
    out_ref[:, 0] = jnp.where(mi >= n, 0, mi)


def _tc_search(positions, obs_pos):
    n = obs_pos.shape[0]
    b = positions.shape[0]
    step_rows = _CHUNK * _UNROLL
    nch = _UNROLL * ((n + step_rows - 1) // step_rows)
    npad = nch * _CHUNK
    tx = jnp.pad(obs_pos[:, 0], (0, npad - n)).reshape(nch, 8, 128)
    ty = jnp.pad(obs_pos[:, 1], (0, npad - n)).reshape(nch, 8, 128)
    minidx = pl.pallas_call(
        functools.partial(_search_body, n),
        grid=(b // _QB,),
        in_specs=[
            pl.BlockSpec((_QB, 2), lambda q: (q, 0)),
            pl.BlockSpec((nch, 8, 128), lambda q: (0, 0, 0)),
            pl.BlockSpec((nch, 8, 128), lambda q: (0, 0, 0)),
        ],
        out_specs=pl.BlockSpec((_QB, 1), lambda q: (q, 0)),
        out_shape=jax.ShapeDtypeStruct((b, 1), jnp.int32),
    )(positions, tx, ty)
    return minidx.reshape(b)


def _sc_gather(table, idx):
    b = idx.shape[0]
    info = plsc.get_sparse_core_info()
    nw = info.num_cores * info.num_subcores
    bpw = b // nw
    mesh = plsc.VectorSubcoreMesh(core_axis_name="c", subcore_axis_name="s")

    @functools.partial(
        pl.kernel,
        mesh=mesh,
        out_type=jax.ShapeDtypeStruct((b, 128), jnp.float32),
        scratch_types=[
            pltpu.VMEM((bpw,), jnp.int32),
            pltpu.VMEM((bpw, 128), jnp.float32),
            pltpu.SemaphoreType.DMA,
        ],
    )
    def gk(table_hbm, idx_hbm, out_hbm, idx_v, rows_v, sem):
        wid = lax.axis_index("s") * info.num_cores + lax.axis_index("c")
        base = wid * bpw
        pltpu.sync_copy(idx_hbm.at[pl.ds(base, bpw)], idx_v)
        pltpu.async_copy(table_hbm.at[idx_v], rows_v, sem).wait()
        pltpu.sync_copy(rows_v, out_hbm.at[pl.ds(base, bpw)])

    return gk(table, idx)


def kernel(positions, obs_pos, zks_prior):
    d = zks_prior.shape[1]
    zpad = jnp.pad(zks_prior, ((0, 0), (0, 128 - d)))
    idx = _tc_search(positions, obs_pos)
    rows = _sc_gather(zpad, idx)
    return rows[:, :d, None, None]

# --- scband reference (transcript-rebuilt; emitter-appended) ---
"""Pipeline reference for scband-tf-physical-layer-13365938225469 (READ-ONLY COPY).

The authoritative reference and input builder live on the scoring server;
editing this copy changes nothing except your own understanding.
"""

import jax, jax.numpy as jnp
import numpy as np

N_STARS = 100000
N_ZERNIKES = 66
BATCH = 4096


def setup_inputs(seed: int = 0) -> dict:
    key = jax.random.key(seed)
    k1, k2, k3 = jax.random.split(key, 3)
    # Fixed (non-trainable) physical-layer buffers, sized per init_kwargs.
    obs_pos = jax.random.normal(k1, (N_STARS, 2), dtype=jnp.float32)
    zks_prior = jax.random.normal(k2, (N_STARS, N_ZERNIKES), dtype=jnp.float32)
    # Query positions must exactly match rows of obs_pos (the layer does an
    # exact equality lookup), so draw them from obs_pos by random index.
    idx = jax.random.randint(k3, (BATCH,), 0, N_STARS)
    positions = jnp.take(obs_pos, idx, axis=0)
    return {"positions": positions, "obs_pos": obs_pos, "zks_prior": zks_prior}


def reference(positions, obs_pos, zks_prior):
    # Faithful translation of TF_physical_layer.call:
    #   tf.map_fn over positions of:
    #     tf.where(tf.equal(obs_pos, pos))[0, 0]
    #   i.e. elementwise-equality against the (n_stars, 2) table, take the
    #   ROW index of the FIRST True element in row-major order.
    # jnp.argmax over the flattened boolean mask reproduces the first-True
    # semantics; // 2 converts flat index -> row index.
    def calc_index(pos):
        mask = jnp.equal(obs_pos, pos)  # (n_stars, 2) bool
        flat_first = jnp.argmax(mask.reshape(-1))
        return flat_first // 2

    # lax.map mirrors tf.map_fn (sequential per-query scan over the table).
    indices = jax.lax.map(calc_index, positions)  # int (batch,)
    batch_zks = jnp.take(zks_prior, indices, axis=0)  # (batch, n_zernikes)
    return batch_zks[:, :, None, None]  # (batch, n_zernikes, 1, 1)

if __name__ == "__main__":
    import jax
    _d = setup_inputs()
    print(jax.jit(kernel)(*tuple(_d.values())))

</pallas_src>

<mosaic_0001>
#map = affine_map<(d0, d1) -> (0, 0)>
#map1 = affine_map<(d0, d1) -> (0)>
module attributes {stable_mosaic.version = 14 : i64} {
  func.func @gk(%arg0: i32, %arg1: i32, %arg2: memref<100000x128xf32, #tpu.memory_space<hbm>>, %arg3: memref<4096xi32, #tpu.memory_space<hbm>>, %arg4: memref<4096x128xf32, #tpu.memory_space<hbm>>, %arg5: memref<128xi32, #tpu.memory_space<vmem>>, %arg6: memref<128x128xf32, #tpu.memory_space<vmem>>, %arg7: memref<!tpu.dma_semaphore, #tpu.memory_space<semaphore_mem>>) attributes {dimension_semantics = [#tpu.dimension_semantics<core_parallel>, #tpu.dimension_semantics<subcore_parallel>], iteration_bounds = array<i64: 2, 16>, scalar_prefetch = 0 : i64, scratch_operands = 3 : i64, tpu.core_type = #tpu.core_type<sc_vector_subcore>, window_params = [{transform_indices = #map}, {transform_indices = #map1}, {transform_indices = #map}]} {
    %mul3A = arith.constant 2 : i32
    %mul3A_0 = arith.muli %arg1, %mul3A : i32
    %add3A = arith.addi %mul3A_0, %arg0 : i32
    %mul3A_1 = arith.constant 128 : i32
    %mul3A_2 = arith.muli %add3A, %mul3A_1 : i32
    "tpu.region"() ({
      %run_scoped3A = tpu.sem_alloc : memref<!tpu.dma_semaphore, #tpu.memory_space<semaphore_mem>>
      %dma_start3A_7 = tpu.memref_slice %arg3[%mul3A_2] : memref<4096xi32, #tpu.memory_space<hbm>> -> memref<128xi32, #tpu.memory_space<hbm>>
      %dma_start3A_8 = tpu.memref_slice %arg3[%mul3A_2] : memref<4096xi32, #tpu.memory_space<hbm>> -> memref<128xi32, #tpu.memory_space<hbm>>
      tpu.enqueue_dma source(%dma_start3A_8 : memref<128xi32, #tpu.memory_space<hbm>>) target(%arg5 : memref<128xi32, #tpu.memory_space<vmem>>) target_semaphore(%run_scoped3A : memref<!tpu.dma_semaphore, #tpu.memory_space<semaphore_mem>>)
      %dma_wait3A_9 = tpu.memref_slice %arg3[%mul3A_2] : memref<4096xi32, #tpu.memory_space<hbm>> -> memref<128xi32, #tpu.memory_space<hbm>>
      %dma_wait3A_10 = tpu.memref_slice %arg3[%mul3A_2] : memref<4096xi32, #tpu.memory_space<hbm>> -> memref<128xi32, #tpu.memory_space<hbm>>
      tpu.wait_dma2 semaphore(%run_scoped3A : memref<!tpu.dma_semaphore, #tpu.memory_space<semaphore_mem>>) src(%dma_wait3A_10 : memref<128xi32, #tpu.memory_space<hbm>>) dst(%arg5 : memref<128xi32, #tpu.memory_space<vmem>>)
      tpu.yield
    }) : () -> ()
    %dma_start3A = arith.constant 0 : i32
    %dma_start3A_3 = arith.constant 0 : i32
    %dma_start3A_4 = tpu.memref_slice %arg2[%dma_start3A, %dma_start3A_3] : memref<100000x128xf32, #tpu.memory_space<hbm>> -> memref<100000x128xf32, #tpu.memory_space<hbm>>
    tpu.enqueue_indirect_dma source(%dma_start3A_4 : memref<100000x128xf32, #tpu.memory_space<hbm>>) target(%arg6 : memref<128x128xf32, #tpu.memory_space<vmem>>) offsets(%arg5 : memref<128xi32, #tpu.memory_space<vmem>>) semaphore(%arg7 : memref<!tpu.dma_semaphore, #tpu.memory_space<semaphore_mem>>)
    %dma_wait3A = arith.constant 0 : i32
    %dma_wait3A_5 = arith.constant 0 : i32
    %dma_wait3A_6 = tpu.memref_slice %arg2[%dma_wait3A, %dma_wait3A_5] : memref<100000x128xf32, #tpu.memory_space<hbm>> -> memref<100000x128xf32, #tpu.memory_space<hbm>>
    tpu.wait_indirect_dma semaphore(%arg7 : memref<!tpu.dma_semaphore, #tpu.memory_space<semaphore_mem>>) src(%dma_wait3A_6 : memref<100000x128xf32, #tpu.memory_space<hbm>>) dst(%arg6 : memref<128x128xf32, #tpu.memory_space<vmem>>)
    "tpu.region"() ({
      %run_scoped3A = tpu.sem_alloc : memref<!tpu.dma_semaphore, #tpu.memory_space<semaphore_mem>>
      %dma_start3A_7 = arith.constant 0 : i32
      %dma_start3A_8 = tpu.memref_slice %arg4[%mul3A_2, %dma_start3A_7] : memref<4096x128xf32, #tpu.memory_space<hbm>> -> memref<128x128xf32, #tpu.memory_space<hbm>>
      %dma_start3A_9 = arith.constant 0 : i32
      %dma_start3A_10 = tpu.memref_slice %arg4[%mul3A_2, %dma_start3A_9] : memref<4096x128xf32, #tpu.memory_space<hbm>> -> memref<128x128xf32, #tpu.memory_space<hbm>>
      tpu.enqueue_dma source(%arg6 : memref<128x128xf32, #tpu.memory_space<vmem>>) target(%dma_start3A_10 : memref<128x128xf32, #tpu.memory_space<hbm>>) target_semaphore(%run_scoped3A : memref<!tpu.dma_semaphore, #tpu.memory_space<semaphore_mem>>)
      %dma_wait3A_11 = arith.constant 0 : i32
      %dma_wait3A_12 = tpu.memref_slice %arg4[%mul3A_2, %dma_wait3A_11] : memref<4096x128xf32, #tpu.memory_space<hbm>> -> memref<128x128xf32, #tpu.memory_space<hbm>>
      %dma_wait3A_13 = arith.constant 0 : i32
      %dma_wait3A_14 = tpu.memref_slice %arg4[%mul3A_2, %dma_wait3A_13] : memref<4096x128xf32, #tpu.memory_space<hbm>> -> memref<128x128xf32, #tpu.memory_space<hbm>>
      tpu.wait_dma2 semaphore(%run_scoped3A : memref<!tpu.dma_semaphore, #tpu.memory_space<semaphore_mem>>) src(%arg6 : memref<128x128xf32, #tpu.memory_space<vmem>>) dst(%dma_wait3A_14 : memref<128x128xf32, #tpu.memory_space<hbm>>)
      tpu.yield
    }) : () -> ()
    return
  }
}

module attributes {stable_mosaic.version = 14 : i64} {
  func.func @_search_body(%arg0: i32, %arg1: memref<512x2xf32, #tpu.memory_space<vmem>>, %arg2: memref<100x8x128xf32, #tpu.memory_space<vmem>>, %arg3: memref<100x8x128xf32, #tpu.memory_space<vmem>>, %arg4: memref<512x1xi32, #tpu.memory_space<vmem>>) attributes {dimension_semantics = [#tpu.dimension_semantics<arbitrary>], iteration_bounds = array<i64: 8>, scalar_prefetch = 0 : i64, scratch_operands = 0 : i64, tpu.core_type = #tpu.core_type<tc>, window_params = [{transform_indices = @transform_0, window_bounds = array<i64: 512, 2>}, {pipeline_mode = #tpu.pipeline_mode<synchronous>, transform_indices = @transform_1, window_bounds = array<i64: 100, 8, 128>}, {pipeline_mode = #tpu.pipeline_mode<synchronous>, transform_indices = @transform_2, window_bounds = array<i64: 100, 8, 128>}, {transform_indices = @transform_3, window_bounds = array<i64: 512, 1>}]} {
    %get3A = arith.constant 0 : index
    %get3A_0 = arith.constant 0 : index
    %get3A_1 = vector.load %arg1[%get3A, %get3A_0] : memref<512x2xf32, #tpu.memory_space<vmem>>, vector<512x1xf32>
    %get3A_2 = vector.shape_cast %get3A_1 : vector<512x1xf32> to vector<512xf32>
    %reshape3A = vector.shape_cast %get3A_2 : vector<512xf32> to vector<512x1x1xf32>
    %get3A_3 = arith.constant 0 : index
    %get3A_4 = arith.constant 1 : index
    %get3A_5 = vector.load %arg1[%get3A_3, %get3A_4] : memref<512x2xf32, #tpu.memory_space<vmem>>, vector<512x1xf32>
    %get3A_6 = vector.shape_cast %get3A_5 : vector<512x1xf32> to vector<512xf32>
    %reshape3A_7 = vector.shape_cast %get3A_6 : vector<512xf32> to vector<512x1x1xf32>
    %iota3A = tpu.iota {dimensions = array<i32: 1>} : vector<1x8x128xi32>
    %mul3A = arith.constant 128 : i32
    %mul3A_8 = vector.broadcast %mul3A : i32 to vector<1x8x128xi32>
    %mul3A_9 = arith.muli %iota3A, %mul3A_8 : vector<1x8x128xi32>
    %iota3A_10 = tpu.iota {dimensions = array<i32: 2>} : vector<1x8x128xi32>
    %add3A = arith.addi %mul3A_9, %iota3A_10 : vector<1x8x128xi32>
    %convert_element_type3A = arith.sitofp %add3A : vector<1x8x128xi32> to vector<1x8x128xf32>
    %broadcast_in_dim3A = arith.constant 0x4D800000 : f32
    %broadcast_in_dim3A_11 = vector.broadcast %broadcast_in_dim3A : f32 to vector<512x8x128xf32>
    %scan3A = arith.constant 0 : i32
    %scan3A_12 = arith.constant 25 : i32
    %scan3A_13 = arith.addi %scan3A, %scan3A_12 : i32
    %scan3A_14 = arith.constant 1 : i32
    %scan3A_15 = scf.for %scan3A_26 = %scan3A to %scan3A_13 step %scan3A_14 iter_args(%scan3A_27 = %broadcast_in_dim3A_11) -> (vector<512x8x128xf32>)  : i32 {
      %mul3A_28 = arith.constant 4 : i32
      %mul3A_29 = arith.muli %scan3A_26, %mul3A_28 : i32
      %add3A_30 = arith.constant 0 : i32
      %add3A_31 = arith.addi %mul3A_29, %add3A_30 : i32
      %sub3A = arith.constant 99 : i32
      %sub3A_32 = arith.subi %sub3A, %add3A_31 : i32
      %get3A_33 = arith.index_cast %sub3A_32 : i32 to index
      %get3A_34 = arith.constant 0 : index
      %get3A_35 = arith.constant 0 : index
      %get3A_36 = vector.load %arg2[%get3A_33, %get3A_34, %get3A_35] : memref<100x8x128xf32, #tpu.memory_space<vmem>>, vector<1x8x128xf32>
      %get3A_37 = vector.shape_cast %get3A_36 : vector<1x8x128xf32> to vector<8x128xf32>
      %broadcast_in_dim3A_38 = vector.shape_cast %get3A_37 : vector<8x128xf32> to vector<1x8x128xf32>
      %eq3A = vector.broadcast %broadcast_in_dim3A_38 : vector<1x8x128xf32> to vector<512x8x128xf32>
      %eq3A_39 = vector.broadcast %reshape3A : vector<512x1x1xf32> to vector<512x8x128xf32>
      %eq3A_40 = arith.cmpf oeq, %eq3A, %eq3A_39 : vector<512x8x128xf32>
      %get3A_41 = arith.index_cast %sub3A_32 : i32 to index
      %get3A_42 = arith.constant 0 : index
      %get3A_43 = arith.constant 0 : index
      %get3A_44 = vector.load %arg3[%get3A_41, %get3A_42, %get3A_43] : memref<100x8x128xf32, #tpu.memory_space<vmem>>, vector<1x8x128xf32>
      %get3A_45 = vector.shape_cast %get3A_44 : vector<1x8x128xf32> to vector<8x128xf32>
      %broadcast_in_dim3A_46 = vector.shape_cast %get3A_45 : vector<8x128xf32> to vector<1x8x128xf32>
      %eq3A_47 = vector.broadcast %broadcast_in_dim3A_46 : vector<1x8x128xf32> to vector<512x8x128xf32>
      %eq3A_48 = vector.broadcast %reshape3A_7 : vector<512x1x1xf32> to vector<512x8x128xf32>
      %eq3A_49 = arith.cmpf oeq, %eq3A_47, %eq3A_48 : vector<512x8x128xf32>
      %or3A = arith.ori %eq3A_40, %eq3A_49 : vector<512x8x128xi1>
      %mul3A_50 = arith.constant 1024 : i32
      %mul3A_51 = arith.muli %sub3A_32, %mul3A_50 : i32
      %convert_element_type3A_52 = arith.sitofp %mul3A_51 : i32 to f32
      %add3A_53 = vector.broadcast %convert_element_type3A_52 : f32 to vector<1x8x128xf32>
      %add3A_54 = arith.addf %convert_element_type3A, %add3A_53 : vector<1x8x128xf32>
      %broadcast_in_dim3A_55 = vector.shape_cast %add3A_54 : vector<1x8x128xf32> to vector<1x8x128xf32>
      %broadcast_in_dim3A_56 = vector.broadcast %broadcast_in_dim3A_55 : vector<1x8x128xf32> to vector<512x8x128xf32>
      %select_n3A_57 = arith.select %or3A, %broadcast_in_dim3A_56, %scan3A_27 : vector<512x8x128xi1>, vector<512x8x128xf32>
      %mul3A_58 = arith.constant 4 : i32
      %mul3A_59 = arith.muli %scan3A_26, %mul3A_58 : i32
      %add3A_60 = arith.constant 1 : i32
      %add3A_61 = arith.addi %mul3A_59, %add3A_60 : i32
      %sub3A_62 = arith.constant 99 : i32
      %sub3A_63 = arith.subi %sub3A_62, %add3A_61 : i32
      %get3A_64 = arith.index_cast %sub3A_63 : i32 to index
      %get3A_65 = arith.constant 0 : index
      %get3A_66 = arith.constant 0 : index
      %get3A_67 = vector.load %arg2[%get3A_64, %get3A_65, %get3A_66] : memref<100x8x128xf32, #tpu.memory_space<vmem>>, vector<1x8x128xf32>
      %get3A_68 = vector.shape_cast %get3A_67 : vector<1x8x128xf32> to vector<8x128xf32>
      %broadcast_in_dim3A_69 = vector.shape_cast %get3A_68 : vector<8x128xf32> to vector<1x8x128xf32>
      %eq3A_70 = vector.broadcast %broadcast_in_dim3A_69 : vector<1x8x128xf32> to vector<512x8x128xf32>
      %eq3A_71 = vector.broadcast %reshape3A : vector<512x1x1xf32> to vector<512x8x128xf32>
      %eq3A_72 = arith.cmpf oeq, %eq3A_70, %eq3A_71 : vector<512x8x128xf32>
      %get3A_73 = arith.index_cast %sub3A_63 : i32 to index
      %get3A_74 = arith.constant 0 : index
      %get3A_75 = arith.constant 0 : index
      %get3A_76 = vector.load %arg3[%get3A_73, %get3A_74, %get3A_75] : memref<100x8x128xf32, #tpu.memory_space<vmem>>, vector<1x8x128xf32>
      %get3A_77 = vector.shape_cast %get3A_76 : vector<1x8x128xf32> to vector<8x128xf32>
      %broadcast_in_dim3A_78 = vector.shape_cast %get3A_77 : vector<8x128xf32> to vector<1x8x128xf32>
      %eq3A_79 = vector.broadcast %broadcast_in_dim3A_78 : vector<1x8x128xf32> to vector<512x8x128xf32>
      %eq3A_80 = vector.broadcast %reshape3A_7 : vector<512x1x1xf32> to vector<512x8x128xf32>
      %eq3A_81 = arith.cmpf oeq, %eq3A_79, %eq3A_80 : vector<512x8x128xf32>
      %or3A_82 = arith.ori %eq3A_72, %eq3A_81 : vector<512x8x128xi1>
      %mul3A_83 = arith.constant 1024 : i32
      %mul3A_84 = arith.muli %sub3A_63, %mul3A_83 : i32
      %convert_element_type3A_85 = arith.sitofp %mul3A_84 : i32 to f32
      %add3A_86 = vector.broadcast %convert_element_type3A_85 : f32 to vector<1x8x128xf32>
      %add3A_87 = arith.addf %convert_element_type3A, %add3A_86 : vector<1x8x128xf32>
      %broadcast_in_dim3A_88 = vector.shape_cast %add3A_87 : vector<1x8x128xf32> to vector<1x8x128xf32>
      %broadcast_in_dim3A_89 = vector.broadcast %broadcast_in_dim3A_88 : vector<1x8x128xf32> to vector<512x8x128xf32>
      %select_n3A_90 = arith.select %or3A_82, %broadcast_in_dim3A_89, %select_n3A_57 : vector<512x8x128xi1>, vector<512x8x128xf32>
      %mul3A_91 = arith.constant 4 : i32
      %mul3A_92 = arith.muli %scan3A_26, %mul3A_91 : i32
      %add3A_93 = arith.constant 2 : i32
      %add3A_94 = arith.addi %mul3A_92, %add3A_93 : i32
      %sub3A_95 = arith.constant 99 : i32
      %sub3A_96 = arith.subi %sub3A_95, %add3A_94 : i32
      %get3A_97 = arith.index_cast %sub3A_96 : i32 to index
      %get3A_98 = arith.constant 0 : index
      %get3A_99 = arith.constant 0 : index
      %get3A_100 = vector.load %arg2[%get3A_97, %get3A_98, %get3A_99] : memref<100x8x128xf32, #tpu.memory_space<vmem>>, vector<1x8x128xf32>
      %get3A_101 = vector.shape_cast %get3A_100 : vector<1x8x128xf32> to vector<8x128xf32>
      %broadcast_in_dim3A_102 = vector.shape_cast %get3A_101 : vector<8x128xf32> to vector<1x8x128xf32>
      %eq3A_103 = vector.broadcast %broadcast_in_dim3A_102 : vector<1x8x128xf32> to vector<512x8x128xf32>
      %eq3A_104 = vector.broadcast %reshape3A : vector<512x1x1xf32> to vector<512x8x128xf32>
      %eq3A_105 = arith.cmpf oeq, %eq3A_103, %eq3A_104 : vector<512x8x128xf32>
      %get3A_106 = arith.index_cast %sub3A_96 : i32 to index
      %get3A_107 = arith.constant 0 : index
      %get3A_108 = arith.constant 0 : index
      %get3A_109 = vector.load %arg3[%get3A_106, %get3A_107, %get3A_108] : memref<100x8x128xf32, #tpu.memory_space<vmem>>, vector<1x8x128xf32>
      %get3A_110 = vector.shape_cast %get3A_109 : vector<1x8x128xf32> to vector<8x128xf32>
      %broadcast_in_dim3A_111 = vector.shape_cast %get3A_110 : vector<8x128xf32> to vector<1x8x128xf32>
      %eq3A_112 = vector.broadcast %broadcast_in_dim3A_111 : vector<1x8x128xf32> to vector<512x8x128xf32>
      %eq3A_113 = vector.broadcast %reshape3A_7 : vector<512x1x1xf32> to vector<512x8x128xf32>
      %eq3A_114 = arith.cmpf oeq, %eq3A_112, %eq3A_113 : vector<512x8x128xf32>
      %or3A_115 = arith.ori %eq3A_105, %eq3A_114 : vector<512x8x128xi1>
      %mul3A_116 = arith.constant 1024 : i32
      %mul3A_117 = arith.muli %sub3A_96, %mul3A_116 : i32
      %convert_element_type3A_118 = arith.sitofp %mul3A_117 : i32 to f32
      %add3A_119 = vector.broadcast %convert_element_type3A_118 : f32 to vector<1x8x128xf32>
      %add3A_120 = arith.addf %convert_element_type3A, %add3A_119 : vector<1x8x128xf32>
      %broadcast_in_dim3A_121 = vector.shape_cast %add3A_120 : vector<1x8x128xf32> to vector<1x8x128xf32>
      %broadcast_in_dim3A_122 = vector.broadcast %broadcast_in_dim3A_121 : vector<1x8x128xf32> to vector<512x8x128xf32>
      %select_n3A_123 = arith.select %or3A_115, %broadcast_in_dim3A_122, %select_n3A_90 : vector<512x8x128xi1>, vector<512x8x128xf32>
      %mul3A_124 = arith.constant 4 : i32
      %mul3A_125 = arith.muli %scan3A_26, %mul3A_124 : i32
      %add3A_126 = arith.constant 3 : i32
      %add3A_127 = arith.addi %mul3A_125, %add3A_126 : i32
      %sub3A_128 = arith.constant 99 : i32
      %sub3A_129 = arith.subi %sub3A_128, %add3A_127 : i32
      %get3A_130 = arith.index_cast %sub3A_129 : i32 to index
      %get3A_131 = arith.constant 0 : index
      %get3A_132 = arith.constant 0 : index
      %get3A_133 = vector.load %arg2[%get3A_130, %get3A_131, %get3A_132] : memref<100x8x128xf32, #tpu.memory_space<vmem>>, vector<1x8x128xf32>
      %get3A_134 = vector.shape_cast %get3A_133 : vector<1x8x128xf32> to vector<8x128xf32>
      %broadcast_in_dim3A_135 = vector.shape_cast %get3A_134 : vector<8x128xf32> to vector<1x8x128xf32>
      %eq3A_136 = vector.broadcast %broadcast_in_dim3A_135 : vector<1x8x128xf32> to vector<512x8x128xf32>
      %eq3A_137 = vector.broadcast %reshape3A : vector<512x1x1xf32> to vector<512x8x128xf32>
      %eq3A_138 = arith.cmpf oeq, %eq3A_136, %eq3A_137 : vector<512x8x128xf32>
      %get3A_139 = arith.index_cast %sub3A_129 : i32 to index
      %get3A_140 = arith.constant 0 : index
      %get3A_141 = arith.constant 0 : index
      %get3A_142 = vector.load %arg3[%get3A_139, %get3A_140, %get3A_141] : memref<100x8x128xf32, #tpu.memory_space<vmem>>, vector<1x8x128xf32>
      %get3A_143 = vector.shape_cast %get3A_142 : vector<1x8x128xf32> to vector<8x128xf32>
      %broadcast_in_dim3A_144 = vector.shape_cast %get3A_143 : vector<8x128xf32> to vector<1x8x128xf32>
      %eq3A_145 = vector.broadcast %broadcast_in_dim3A_144 : vector<1x8x128xf32> to vector<512x8x128xf32>
      %eq3A_146 = vector.broadcast %reshape3A_7 : vector<512x1x1xf32> to vector<512x8x128xf32>
      %eq3A_147 = arith.cmpf oeq, %eq3A_145, %eq3A_146 : vector<512x8x128xf32>
      %or3A_148 = arith.ori %eq3A_138, %eq3A_147 : vector<512x8x128xi1>
      %mul3A_149 = arith.constant 1024 : i32
      %mul3A_150 = arith.muli %sub3A_129, %mul3A_149 : i32
      %convert_element_type3A_151 = arith.sitofp %mul3A_150 : i32 to f32
      %add3A_152 = vector.broadcast %convert_element_type3A_151 : f32 to vector<1x8x128xf32>
      %add3A_153 = arith.addf %convert_element_type3A, %add3A_152 : vector<1x8x128xf32>
      %broadcast_in_dim3A_154 = vector.shape_cast %add3A_153 : vector<1x8x128xf32> to vector<1x8x128xf32>
      %broadcast_in_dim3A_155 = vector.broadcast %broadcast_in_dim3A_154 : vector<1x8x128xf32> to vector<512x8x128xf32>
      %select_n3A_156 = arith.select %or3A_148, %broadcast_in_dim3A_155, %select_n3A_123 : vector<512x8x128xi1>, vector<512x8x128xf32>
      scf.yield %select_n3A_156 : vector<512x8x128xf32>
    }
    %scan3A_16 = arith.constant 25 : i32
    %reduce_min3A = arith.constant dense<0x7F800000> : vector<512xf32>
    %reduce_min3A_17 = vector.multi_reduction <minimumf>, %scan3A_15, %reduce_min3A [1, 2] : vector<512x8x128xf32> to vector<512xf32>
    %convert_element_type3A_18 = arith.fptosi %reduce_min3A_17 : vector<512xf32> to vector<512xi32>
    %ge3A = arith.constant 100000 : i32
    %ge3A_19 = vector.broadcast %ge3A : i32 to vector<512xi32>
    %ge3A_20 = arith.cmpi sge, %convert_element_type3A_18, %ge3A_19 : vector<512xi32>
    %jit3A = arith.constant 0 : i32
    %broadcast_in_dim3A_21 = vector.broadcast %jit3A : i32 to vector<512xi32>
    %select_n3A = arith.select %ge3A_20, %broadcast_in_dim3A_21, %convert_element_type3A_18 : vector<512xi1>, vector<512xi32>
    %swap3A = arith.constant 0 : index
    %swap3A_22 = arith.constant 0 : index
    %swap3A_23 = vector.load %arg4[%swap3A, %swap3A_22] : memref<512x1xi32, #tpu.memory_space<vmem>>, vector<512x1xi32>
    %swap3A_24 = vector.shape_cast %swap3A_23 : vector<512x1xi32> to vector<512xi32>
    %swap3A_25 = vector.shape_cast %select_n3A : vector<512xi32> to vector<512x1xi32>
    tpu.vector_store %arg4[%swap3A, %swap3A_22], %swap3A_25 {strides = array<i32>} : memref<512x1xi32, #tpu.memory_space<vmem>>, vector<512x1xi32>,
    return
  }
  func.func @transform_0(%arg0: i32) -> (i32, i32) {
    %c0_i32 = arith.constant 0 : i32
    %c0_i32_0 = arith.constant 0 : i32
    return %arg0, %c0_i32 : i32, i32
  }
  func.func @transform_1(%arg0: i32) -> (i32, i32, i32) {
    %c0_i32 = arith.constant 0 : i32
    %c0_i32_0 = arith.constant 0 : i32
    %c0_i32_1 = arith.constant 0 : i32
    %c0_i32_2 = arith.constant 0 : i32
    return %c0_i32, %c0_i32_0, %c0_i32_1 : i32, i32, i32
  }
  func.func @transform_2(%arg0: i32) -> (i32, i32, i32) {
    %c0_i32 = arith.constant 0 : i32
    %c0_i32_0 = arith.constant 0 : i32
    %c0_i32_1 = arith.constant 0 : i32
    %c0_i32_2 = arith.constant 0 : i32
    return %c0_i32, %c0_i32_0, %c0_i32_1 : i32, i32, i32
  }
  func.func @transform_3(%arg0: i32) -> (i32, i32) {
    %c0_i32 = arith.constant 0 : i32
    %c0_i32_0 = arith.constant 0 : i32
    return %arg0, %c0_i32 : i32, i32
  }
}

</mosaic_0001>

<sc_bundles>
// kernel: kernel.4.cloned.1.call-start
scs
__scs_entry_jumppad:
0x0: {  	(pc) =	sbr.rel $0x88, $3  }
0x1: {  	(tag) =	ssettag $0x0;
	lr =	simm.s32 $0x1  }
0x2: {  	[smem:$0x3F9E] =	sst lr;
	_ =	strace $0xD0000000  }
0x3: {  	_ = 	snop  }
0x4: {  	_ = 	snop  }
0x5: {  	_ = 	snop  }
0x6: {  	_ = 	snop  }
0x7: {  	_ = 	snop  }
__scs_overlays_trampoline_lowered:
0x8: {  	[smem:$0x3FAD] =	sst s0  }
0x9: {  	[smem:$0x3FAE] =	sst s1  }
0xa: {  	[smem:$0x3FAF] =	sst s2  }
0xb: {  	[smem:$0x3FB0] =	sst s3  }
0xc: {  	[smem:$0x3FB1] =	sst s4  }
0xd: {  	[smem:$0x3FB2] =	sst s5  }
0xe: {  	[smem:$0x3FB3] =	sst s6  }
0xf: {  	[smem:$0x3FB4] =	sst s7  }
0x10: {  	[smem:$0x3FB5] =	sst s8  }
0x11: {  	[smem:$0x3FB6] =	sst s9;
	s0 =	simm.s32 @!p0 $0x0  }
0x12: {  	s1 =	sld [smem:$0x3F9C];
	s0 =	simm.s32 @p0 $0x1  }
0x13: {  	[smem:$0x3FB7] =	sst s0;
	s0 =	simm.s32 @!p1 $0x0  }
0x14: {  	s2 =	sld [smem:$0x3F9B];
	s0 =	simm.s32 @p1 $0x1  }
0x15: {  	[smem:$0x3FB8] =	sst s0;
	s0 =	simm.s32 @!p2 $0x0  }
0x16: {  	s3 =	sld [smem:$0x3FDB];
	s0 =	simm.s32 @p2 $0x1  }
0x17: {  	s4 =	simm.s32 $0x1BF5;
	[smem:$0x3FBA] =	sst s0  }
0x18: {  	s0 =	sld [smem:$0x3F9D];
	_ =	swait.ge [sflag:s4], $0x0  }
0x19: {  	s7 =	sld [smem:$0x3F9E]  }
0x1a: {  	s8 =	sadd.s32 $0xFFFFE003, lr  }
0x1b: {  	s9 =	sadd.s32 $0xFFFFFEF7, lr;
	s5 =	simm.s32 $0xFFFFFFFF;
	p2 =	slt.u32 s8, $0xFFFFF086  }
0x1c: {  	p1 =	slt.u32 s9, $0xF7A;
	s5 =	simm.s32 @!p2 $0x0  }
0x1d: {  	s5 =	simm.s32 @p1 $0x1;
	p0 =	seq.s32 s7, s2  }
0x1e: {  	s7 =	smul.u32 @!p0 $0xF7A, s2;
	p2 =	seq.s32 @!p0 s5, $0x0  }
0x1f: {  	s9 =	smul.u32 $0xF7A, s1;
	s8 =	simm.s32 @!p0 $0x1BF5;
	p2 =	por !p2, p0  }
0x20: {  	[sflag:s8] =	ssyncset.s32 @!p0 $0xFFFFF086;
	s6 =	sadd.s32 @!p0 s3, s7;
	s7 =	simm.s32 @!p0 $0x108  }
0x21: {  	s3 =	sadd.s32 s3, s9;
	s6 =	sadd.s32 @!p0 $0x88, s6;
	s7 =	simm.s32 @p2 $0x1082  }
0x22: {  	[simem:s7], [sflag:s8] =	dma.local @!p0 [hbm:s6], $0xF7A  }
0x23: {  	s9 =	sor.u32 $0xD0000000, s2;
	s6 =	simm.s32 $0x108;
	_ =	swait.ge @!p0 [sflag:s8], $0x0  }
0x24: {  	s3 =	sadd.s32 $0x88, s3;
	s6 =	simm.s32 @!p1 $0x1082;
	[sflag:s4] =	ssyncset.s32 $0xFFFFF086  }
0x25: {  	[simem:s6], [sflag:s4] =	dma.local [hbm:s3], $0xF7A  }
0x26: {  	[smem:$0x3F9E] =	sst s1;
	(tag) =	ssettag s2;
	_ =	strace s9  }
0x27: {  	s1 =	sld [smem:$0x3FAE]  }
0x28: {  	s2 =	sld [smem:$0x3FAF]  }
0x29: {  	s4 =	sld [smem:$0x3FB1]  }
0x2a: {  	p0 =	seq.s32 s5, $0x0;
	s5 =	sld [smem:$0x3FB2]  }
0x2b: {  	s6 =	sld [smem:$0x3FB3]  }
0x2c: {  	s7 =	sld [smem:$0x3FB4]  }
0x2d: {  	s3 =	simm.s32 $0x108;
	s8 =	sld [smem:$0x3FB5]  }
0x2e: {  	s3 =	simm.s32 @!p0 $0x1082;
	s9 =	sld [smem:$0x3FB6]  }
0x2f: {  	lr =	sadd.s32 s0, s3;
	s0 =	sld [smem:$0x3FAD]  }
0x30: {  	s3 =	sld [smem:$0x3FB0]  }
0x31: {  	[smem:$0x3FB9] =	sst s10  }
0x32: {  	s10 =	sld [smem:$0x3FB7];
	_ =	sdelay $0x3  }
0x33: {  	p0 =	seq.s32 s10, $0x1;
	s10 =	sld [smem:$0x3FB9];
	_ =	sdelay $0x3  }
0x34: {  	[smem:$0x3FB9] =	sst s10  }
0x35: {  	s10 =	sld [smem:$0x3FB8];
	_ =	sdelay $0x3  }
0x36: {  	p1 =	seq.s32 s10, $0x1;
	s10 =	sld [smem:$0x3FB9];
	_ =	sdelay $0x3  }
0x37: {  	[smem:$0x3FB9] =	sst s10  }
0x38: {  	s10 =	sld [smem:$0x3FBA]  }
0x39: {  	_ = 	snop;
	(pc) =	sbr.ind lr, $3  }
0x3a: {  	_ = 	snop  }
0x3b: {  	_ = 	snop  }
0x3c: {  	p2 =	seq.s32 s10, $0x1;
	s10 =	sld [smem:$0x3FB9]  }
0x3d: {  	_ =	shalt  }
0x3e: {  	_ =	shalt  }
0x3f: {  	_ =	shalt  }
0x40: {  	_ =	shalt  }
0x41: {  	_ =	shalt  }
0x42: {  	_ =	shalt  }
0x43: {  	_ =	shalt  }
0x44: {  	_ =	shalt  }
0x45: {  	_ =	shalt  }
0x46: {  	_ =	shalt  }
0x47: {  	_ =	shalt  }
0x48: {  	_ =	shalt  }
0x49: {  	_ =	shalt  }
0x4a: {  	_ =	shalt  }
0x4b: {  	_ =	shalt  }
0x4c: {  	_ =	shalt  }
0x4d: {  	_ =	shalt  }
0x4e: {  	_ =	shalt  }
0x4f: {  	_ =	shalt  }
0x50: {  	_ =	shalt  }
0x51: {  	_ =	shalt  }
0x52: {  	_ =	shalt  }
0x53: {  	_ =	shalt  }
0x54: {  	_ =	shalt  }
0x55: {  	_ =	shalt  }
0x56: {  	_ =	shalt  }
0x57: {  	_ =	shalt  }
0x58: {  	_ =	shalt  }
0x59: {  	_ =	shalt  }
0x5a: {  	_ =	shalt  }
0x5b: {  	_ =	shalt  }
0x5c: {  	_ =	shalt  }
0x5d: {  	_ =	shalt  }
0x5e: {  	_ =	shalt  }
0x5f: {  	_ =	shalt  }
0x60: {  	_ =	shalt  }
0x61: {  	_ =	shalt  }
0x62: {  	_ =	shalt  }
0x63: {  	_ =	shalt  }
0x64: {  	_ =	shalt  }
0x65: {  	_ =	shalt  }
0x66: {  	_ =	shalt  }
0x67: {  	_ =	shalt  }
0x68: {  	_ =	shalt  }
0x69: {  	_ =	shalt  }
0x6a: {  	_ =	shalt  }
0x6b: {  	_ =	shalt  }
0x6c: {  	_ =	shalt  }
0x6d: {  	_ =	shalt  }
0x6e: {  	_ =	shalt  }
0x6f: {  	_ =	shalt  }
0x70: {  	_ =	shalt  }
0x71: {  	_ =	shalt  }
0x72: {  	_ =	shalt  }
0x73: {  	_ =	shalt  }
0x74: {  	_ =	shalt  }
0x75: {  	_ =	shalt  }
0x76: {  	_ =	shalt  }
0x77: {  	_ =	shalt  }
0x78: {  	_ =	shalt  }
0x79: {  	_ =	shalt  }
0x7a: {  	_ =	shalt  }
0x7b: {  	_ =	shalt  }
0x7c: {  	_ =	shalt  }
0x7d: {  	_ =	shalt  }
0x7e: {  	_ =	shalt  }
0x7f: {  	_ =	shalt  }
0x80: {  	_ =	shalt  }
0x81: {  	_ =	shalt  }
0x82: {  	_ =	shalt  }
0x83: {  	_ =	shalt  }
0x84: {  	_ =	shalt  }
0x85: {  	_ =	shalt  }
0x86: {  	_ =	shalt  }
0x87: {  	_ =	shalt  }
.Lfunc_end0:
.L_simem_size_0:
called_computation_lowered:
.L_overlay_start_0:
0x88: {  	s2 =	sld [smem:$0x3FD9]  }
0x89: {  	s3 =	sld [smem:$0x3FFE];
	_ =	sdelay $0x1  }
0x8a: {  	s1 =	srdreg.scid  }
0x8b: {  	s0 =	sand.u32 $0x1, s1  }
0x8c: {  	s17 =	sshll.u32 s0, $0xA;
	s2 =	sadd.s32 s3, s2  }
0x8d: {  	s2 =	sadd.s32 s2, s17  }
0x8e: {  	[smem:$0x3FC5] =	sst s2  }
0x8f: {  	_ = 	snop  }
0x90: {  	s2 =	sld [smem:$0x3FD0];
	(tm) =	ssettm $0x1  }
0x91: {  	s18 =	sld [smem:$0x3FFB];
	_ =	sdelay $0x3  }
0x92: {  	_ =	strace s18  }
0x93: {  	s3 =	sld [smem:$0x3FFC];
	_ =	sdelay $0x3  }
0x94: {  	_ =	strace s3  }
0x95: {  	s3 =	sld [smem:$0x3FFD];
	_ =	sdelay $0x3  }
0x96: {  	_ =	strace s3  }
0x97: {  	_ =	strace $0x8FFFFFFF  }
0x98: {  	s19 =	sld [smem:$0x3FDB];
	_ =	sdelay $0x1  }
0x99: {  	s4 =	simm.s32 $_scs_section_size  }
0x9a: {  	s5 =	simm.s32 $_size__tile_overlayer_lowered;
	s6 =	simm.s32 $_tile_overlayer_lowered  }
0x9b: {  	s22 =	simm.s32 $0x1BFF;
	s21 =	sshll.u32 s6, $0x1;
	s3 =	sadd.s32 s4, s19  }
0x9c: {  	s7 =	simm.s32 $0x0;
	s20 =	sshll.u32 s5, $0x1;
	s5 =	sadd.s32 s21, s3  }
0x9d: {  	[timem:s7], [sflag:s22] =	dma.local [hbm:s5], s20  }
0x9e: {  	_ =	swait.ge [sflag:s22], s20  }
0x9f: {  	s4 =	ssub.s32 $0x0, s20;
	[sflag:s22] =	ssyncset.done $0x0  }
0xa0: {  	[sflag:s22] =	ssyncadd.s32 s4;
	_ =	sdelay $0x1  }
0xa1: {  	s23 =	simm.s32 $0x1B8B  }
0xa2: {  	_ =	swait.ge [sflag:s23], $0x1  }
0xa3: {  	[sflag:s23] =	ssyncset.done $0x0  }
0xa4: {  	s25 =	simm.s32 $0x1B8E;
	s24 =	sld [smem:$0x3FFE];
	[sflag:s23] =	ssyncadd.s32 $0xFFFFFFFF  }
0xa5: {  	s26 =	simm.s32 $execute0_lowered;
	[smem:$0x3FD2] =	sst s25  }
0xa6: {  	s5 =	sshll.u32 s26, $0x1;
	_ =	strace $0x80000046;
	[dreg:$0x1] =	wrdreg $0xFFFFFFFF  }
0xa7: {  	s28 =	simm.s32 $_size_execute0_lowered;
	s3 =	sadd.s32 s3, s5;
	[dreg:$0x0] =	wrdreg $0x0  }
0xa8: {  	s5 =	sshll.u32 s28, $0x1;
	[dreg:$0x2] =	wrdreg s3  }
0xa9: {  	[dreg:$0x3] =	wrdreg s5  }
0xaa: {  	[dreg:$0x4] =	wrdreg $0xC0  }
0xab: {  	_ =	task [dreg:s7], $0x5FFFF  }
0xac: {  	[dreg:$0x1] =	wrdreg $0xFFFFFFFF  }
0xad: {  	[dreg:$0x0] =	wrdreg $0x60  }
0xae: {  	[dreg:$0x2] =	wrdreg s24  }
0xaf: {  	[dreg:$0x3] =	wrdreg s2  }
0xb0: {  	[dreg:$0x4] =	wrdreg $0x9  }
0xb1: {  	_ =	task.clear_ibuf [dreg:s7], $0x5FFFF;
	_ =	strace $0x90000046  }
0xb2: {  	s29 =	simm.s32 $0x9;
	_ =	strace $0x80000048  }
0xb3: {  	_ =	swait.ge [sflag:s29], $0x1  }
0xb4: {  	[sflag:s29] =	ssyncadd.s32 $0xFFFFFFFF  }
0xb5: {  	_ =	strace $0x90000048  }
0xb6: {  	_ =	sfence  }
0xb7: {  	s30 =	sld [smem:$0x0];
	_ =	sdelay $0x2  }
0xb8: {  	s31 =	sshll.u32 s1, $0xD;
	s1 =	sshrl.u32 s1, $0x2  }
0xb9: {  	s3 =	sand.u32 $0x4000, s31;
	s1 =	sadd.s32 s1, s30  }
0xba: {  	s0 =	sor.u32 s3, s0;
	s1 =	sshll.u32 s1, $0x11  }
0xbb: {  	s0 =	sor.u32 s1, s0  }
0xbc: {  	s0 =	sadd.s32 $0x8F2B, s0  }
0xbd: {  	[sflag:s0] =	ssyncadd.remote.s32 $0x1  }
0xbe: {  	_ =	sfence.sel $0xFFFF  }
0xbf: {  	[dreg:$0x0] =	wrdreg $0xFFFFFFFF;
	(pc) =	sbr.abs _section_cstart, $3  }
0xc0: {  	[dreg:$0x1] =	wrdreg $0xFFFFFFFF  }
0xc1: {  	_ =	task.clear_ibuf [dreg:s7], $0x2FFFF;
	_ =	strace $0x9FFFFFFF  }
0xc2: {  	(tm) =	ssettm $0x7FFFFFFF  }
0xc3: {  	_ =	shalt  }
tec
execute0_lowered:
.L_overlay_start_1:
0x0: {  	(tag) =	ssettag $0x1  }
0x1: {  	s1 =	srdreg.scid;
	s8 =	rddreg [dreg:$0x0]  }
0x2: {  	s0 =	stileid.u32;
	s3 =	rddreg [dreg:$0x1];
	s6 =	sand.u32 $0x1, s1  }
0x3: {  	s2 =	simm.s32 $0x0;
	s4 =	sshll.u32 s0, $0x8;
	s5 =	sshll.u32 s6, $0x7  }
0x4: {  	[smem:$0x7FF] =	sst s2;
	s9 =	sor.u32 s5, s4  }
0x5: {  	s1 =	rddreg [dreg:$0x2];
	_ =	strace $0x80000047;
	s4 =	sshrl.u32 s9, $0x3  }
0x6: {  	s10 =	ssub.s32 $0x2, s6;
	s4 =	sadd.s32 s3, s4;
	s3 =	simm.s32 $0x2  }
0x7: {  	[tilespmem:s2], [sflag:$0x2] =	stream.linear.gather [hbm4b:s4+s2], $0x80, $0x38;
	[tilespmem:$0x4080] =	vst v63  }
0x8: {  	s7 =	simm.s32 $0x1;
	s11 =	sshrl.u32 s10, $0x1;
	_ =	swait.ge [sflag:s3], $0x80  }
0x9: {  	s6 =	simm.s32 $0x80;
	s10 =	ssub.s32 s10, s11;
	[sflag:s3] =	ssyncset.done $0x0  }
0xa: {  	s5 =	sadd.s32 $0x186A00, s8;
	s31 =	smax.u32 s10, $0x1;
	[sflag:s3] =	ssyncadd.s32 $0xFFFFFF80  }
0xb: {  	[tilespmem:s6], [sflag:$0x1] =	stream.indirect.gather [hbm4b:s5+s6], $0x80, s2, s6, $0xb8;
	[tilespmem:$0x4080] =	vst v63  }
0xc: {  	p0 =	sne.s32 s31, $0x1;
	_ =	swait.ge [sflag:s7], $0x4000  }
.Ltmp0:
0xd: {  	s9 =	sshll.u32 s9, $0x4;
	[sflag:s7] =	ssyncset.done $0x0;
	(pc) =	sbr.rel @!p0 .LBB2_2-.Ltmp0, $4  }
0xe: {  	s8 =	sadd.s32 s8, s9;
	[sflag:s7] =	ssyncadd.s32 $0xFFFFC000  }
0xf: {  	[hbm4b:s8+s2] =	stream.linear.scatter [tilespmem:s6], [sflag:$0x2], $0x4000, $0x38;
	[tilespmem:$0x4080] =	vst v63  }
0x10: {  	_ =	swait.ge [sflag:s3], $0x4000  }
0x11: {  	s9 =	sadd.s32 $0xFFFFFFFF, s31;
	[sflag:s3] =	ssyncset.done $0x0  }
.LBB2_1:
0x12: {  	p0 =	sne.s32 s9, $0x1;
	s9 =	sadd.s32 $0xFFFFFFFF, s9;
	[sflag:s3] =	ssyncadd.s32 $0xFFFFC000  }
0x13: {  	[tilespmem:s2], [sflag:$0x2] =	stream.linear.gather [hbm4b:s4+s2], $0x80, $0x38;
	[tilespmem:$0x4080] =	vst v63  }
0x14: {  	_ =	swait.ge [sflag:s3], $0x80  }
0x15: {  	[sflag:s3] =	ssyncset.done $0x0  }
0x16: {  	[sflag:s3] =	ssyncadd.s32 $0xFFFFFF80  }
0x17: {  	[tilespmem:s6], [sflag:$0x1] =	stream.indirect.gather [hbm4b:s5+s6], $0x80, s2, s6, $0xb8;
	[tilespmem:$0x4080] =	vst v63  }
0x18: {  	_ =	swait.ge [sflag:s7], $0x4000  }
.Ltmp1:
0x19: {  	[sflag:s7] =	ssyncset.done $0x0;
	(pc) =	sbr.rel @p0 .LBB2_1-.Ltmp1, $4  }
0x1a: {  	[sflag:s7] =	ssyncadd.s32 $0xFFFFC000  }
0x1b: {  	[hbm4b:s8+s2] =	stream.linear.scatter [tilespmem:s6], [sflag:$0x2], $0x4000, $0x38;
	[tilespmem:$0x4080] =	vst v63  }
0x1c: {  	_ =	swait.ge [sflag:s3], $0x4000  }
0x1d: {  	[sflag:s3] =	ssyncset.done $0x0  }
.LBB2_2:
0x1e: {  	[sflag:s3] =	ssyncadd.s32 $0xFFFFC000  }
0x1f: {  	_ =	sfence.sel $0x180000  }
0x20: {  	[bflag:$0x0] =	sbarrier.arrive $0xFFFF  }
0x21: {  	p0 =	sne.s32 s0, $0x0;
	_ =	strace $0x90000047  }
0x22: {  	s0 =	sadd.s32 @!p0 $0x100000, s1;
	[bflag:$0x2] =	sbarrier.arrive $0xFFFF  }
0x23: {  	[sflag:s0] =	ssyncadd.tile.s32 @!p0 $0x1;
	_ =	shalt  }
.Lfunc_end2:
_tile_overlayer_lowered:
.L_overlay_start_2:
0x24: {  	(tag) =	ssettag $0x2  }
0x25: {  	s0 =	rddreg [dreg:$0x0];
	s2 =	stileid.u32  }
0x26: {  	s1 =	rddreg [dreg:$0x1];
	p0 =	sne.s32 s2, $0x0  }
0x27: {  	s3 =	rddreg [dreg:$0x2];
	[bflag:$0x3] =	sbarrier.arrive $0xFFFF;
	s2 =	simm.s32 @!p0 $0x1C02  }
0x28: {  	[timem:s3], [sflag:s2] =	dma.local @!p0 [hbm:s0], s1  }
0x29: {  	s0 =	simm.s32 @!p0 $0x2  }
0x2a: {  	_ =	swait.ge @!p0 [sflag:s0], s1  }
0x2b: {  	s1 =	ssub.s32 @!p0 $0x0, s1;
	[sflag:s0] =	ssyncset.done @!p0 $0x0  }
0x2c: {  	[sflag:s0] =	ssyncadd.s32 @!p0 s1  }
0x2d: {  	[bflag:$0x3] =	sbarrier.arrive $0xFFFF  }
0x2e: {  	_ =	shalt  }

</sc_bundles>
